<compile_context>
chip_gen: v7x
topology: tpu7x:2x2x1
jax: 0.10.2.dev20260603
libtpu: 0.0.44.dev20260713+nightly
codegen_flags: <defaults>
</compile_context>

<pallas_src>
import functools

import jax
import jax.numpy as jnp
from jax import lax
from jax.experimental import pallas as pl
from jax.experimental.pallas import tpu as pltpu
from jax.experimental.pallas import tpu_sc as plsc

B, L, D = 4096, 50, 128
NC, NS = 2, 16
NW = NC * NS
PER_W = B // NW
NBUF = 2
NGROUP = L // NBUF


@functools.partial(
    pl.kernel,
    mesh=plsc.VectorSubcoreMesh(core_axis_name="c", subcore_axis_name="s"),
    out_type=jax.ShapeDtypeStruct((L, B, D), jnp.float32),
    scratch_types=[
        pltpu.VMEM((L, PER_W), jnp.int32),
        pltpu.VMEM((2 * NBUF, PER_W, D), jnp.float32),
    ]
    + [pltpu.SemaphoreType.DMA] * (2 * NBUF),
)
def _gather_kernel(idx_hbm, table_hbm, out_hbm, idx_v, bufs, *sems):
    gsems = sems[:NBUF]
    ssems = sems[NBUF:]
    wid = lax.axis_index("s") * NC + lax.axis_index("c")
    base = wid * PER_W
    pltpu.sync_copy(idx_hbm.at[wid], idx_v)

    for b in range(NBUF):
        pltpu.async_copy(table_hbm.at[idx_v.at[b]], bufs.at[b], gsems[b])

    def body(g, carry):
        p = lax.rem(g, 2)
        pn = 1 - p
        for b in range(NBUF):
            j = g * NBUF + b
            cur = p * NBUF + b
            nxt = pn * NBUF + b
            pltpu.make_async_copy(
                table_hbm.at[idx_v.at[j]], bufs.at[cur], gsems[b]
            ).wait()

            @pl.when(g > 0)
            def _drain():
                pltpu.make_async_copy(
                    bufs.at[nxt], out_hbm.at[j].at[pl.ds(base, PER_W)], ssems[b]
                ).wait()

            pltpu.async_copy(
                bufs.at[cur], out_hbm.at[j].at[pl.ds(base, PER_W)], ssems[b]
            )

            @pl.when(g < NGROUP - 1)
            def _next_gather():
                pltpu.async_copy(
                    table_hbm.at[idx_v.at[j + NBUF]], bufs.at[nxt], gsems[b]
                )

        return carry

    lax.fori_loop(0, NGROUP, body, 0)

    for b in range(NBUF):
        pltpu.make_async_copy(
            bufs.at[b], out_hbm.at[0].at[pl.ds(base, PER_W)], ssems[b]
        ).wait()


def kernel(token_ids, weight):
    idx = token_ids.astype(jnp.int32).reshape(NW, PER_W, L).transpose(0, 2, 1)
    out = _gather_kernel(idx, weight)
    return out.transpose(1, 0, 2)

# --- scband reference (transcript-rebuilt; emitter-appended) ---
"""Pipeline reference for scband-embedding-36077725287120 (READ-ONLY COPY).

The authoritative reference and input builder live on the scoring server;
editing this copy changes nothing except your own understanding.
"""

import jax, jax.numpy as jnp
import numpy as np

NUM_EMBEDDINGS = 100000
EMBEDDING_DIM = 128

def setup_inputs(seed: int = 0) -> dict:
    key = jax.random.key(seed)
    k_idx, k_w = jax.random.split(key)
    token_ids = jax.random.randint(k_idx, (4096, 50), 0, NUM_EMBEDDINGS, dtype=jnp.int64 if jax.config.jax_enable_x64 else jnp.int32)
    # trunc_normal_(mean=0, std=1, a=-3, b=3)
    weight = jax.random.truncated_normal(k_w, -3.0, 3.0, (NUM_EMBEDDINGS, EMBEDDING_DIM), dtype=jnp.float32)
    return {"token_ids": token_ids, "weight": weight}

def reference(token_ids, weight):
    # Embedding lookup: weight[token_ids] -> [B, L, D]
    return jnp.take(weight, token_ids, axis=0)

if __name__ == "__main__":
    import jax
    _d = setup_inputs()
    print(jax.jit(kernel)(*tuple(_d.values())))

</pallas_src>

<mosaic_0001>
#map = affine_map<(d0, d1) -> (0, 0, 0)>
#map1 = affine_map<(d0, d1) -> (0, 0)>
module attributes {stable_mosaic.version = 14 : i64} {
  func.func @_gather_kernel(%arg0: i32, %arg1: i32, %arg2: memref<32x50x128xi32, #tpu.memory_space<hbm>>, %arg3: memref<100000x128xf32, #tpu.memory_space<hbm>>, %arg4: memref<50x4096x128xf32, #tpu.memory_space<hbm>>, %arg5: memref<50x128xi32, #tpu.memory_space<vmem>>, %arg6: memref<4x128x128xf32, #tpu.memory_space<vmem>>, %arg7: memref<!tpu.dma_semaphore, #tpu.memory_space<semaphore_mem>>, %arg8: memref<!tpu.dma_semaphore, #tpu.memory_space<semaphore_mem>>, %arg9: memref<!tpu.dma_semaphore, #tpu.memory_space<semaphore_mem>>, %arg10: memref<!tpu.dma_semaphore, #tpu.memory_space<semaphore_mem>>) attributes {dimension_semantics = [#tpu.dimension_semantics<core_parallel>, #tpu.dimension_semantics<subcore_parallel>], iteration_bounds = array<i64: 2, 16>, scalar_prefetch = 0 : i64, scratch_operands = 6 : i64, tpu.core_type = #tpu.core_type<sc_vector_subcore>, window_params = [{transform_indices = #map}, {transform_indices = #map1}, {transform_indices = #map}]} {
    %mul3A = arith.constant 2 : i32
    %mul3A_0 = arith.muli %arg1, %mul3A : i32
    %add3A = arith.addi %mul3A_0, %arg0 : i32
    %mul3A_1 = arith.constant 128 : i32
    %mul3A_2 = arith.muli %add3A, %mul3A_1 : i32
    "tpu.region"() ({
      %run_scoped3A = tpu.sem_alloc : memref<!tpu.dma_semaphore, #tpu.memory_space<semaphore_mem>>
      %dma_start3A_74 = arith.constant 0 : i32
      %dma_start3A_75 = arith.constant 0 : i32
      %dma_start3A_76 = tpu.memref_slice %arg2[%add3A, %dma_start3A_74, %dma_start3A_75] : memref<32x50x128xi32, #tpu.memory_space<hbm>> -> memref<1x50x128xi32, #tpu.memory_space<hbm>>
      %dma_start3A_77 = tpu.memref_squeeze %dma_start3A_76 : memref<1x50x128xi32, #tpu.memory_space<hbm>> -> memref<50x128xi32, #tpu.memory_space<hbm>>
      %dma_start3A_78 = arith.constant 0 : i32
      %dma_start3A_79 = arith.constant 0 : i32
      %dma_start3A_80 = tpu.memref_slice %arg2[%add3A, %dma_start3A_78, %dma_start3A_79] : memref<32x50x128xi32, #tpu.memory_space<hbm>> -> memref<1x50x128xi32, #tpu.memory_space<hbm>>
      %dma_start3A_81 = tpu.memref_squeeze %dma_start3A_80 : memref<1x50x128xi32, #tpu.memory_space<hbm>> -> memref<50x128xi32, #tpu.memory_space<hbm>>
      tpu.enqueue_dma source(%dma_start3A_81 : memref<50x128xi32, #tpu.memory_space<hbm>>) target(%arg5 : memref<50x128xi32, #tpu.memory_space<vmem>>) target_semaphore(%run_scoped3A : memref<!tpu.dma_semaphore, #tpu.memory_space<semaphore_mem>>)
      %dma_wait3A_82 = arith.constant 0 : i32
      %dma_wait3A_83 = arith.constant 0 : i32
      %dma_wait3A_84 = tpu.memref_slice %arg2[%add3A, %dma_wait3A_82, %dma_wait3A_83] : memref<32x50x128xi32, #tpu.memory_space<hbm>> -> memref<1x50x128xi32, #tpu.memory_space<hbm>>
      %dma_wait3A_85 = tpu.memref_squeeze %dma_wait3A_84 : memref<1x50x128xi32, #tpu.memory_space<hbm>> -> memref<50x128xi32, #tpu.memory_space<hbm>>
      %dma_wait3A_86 = arith.constant 0 : i32
      %dma_wait3A_87 = arith.constant 0 : i32
      %dma_wait3A_88 = tpu.memref_slice %arg2[%add3A, %dma_wait3A_86, %dma_wait3A_87] : memref<32x50x128xi32, #tpu.memory_space<hbm>> -> memref<1x50x128xi32, #tpu.memory_space<hbm>>
      %dma_wait3A_89 = tpu.memref_squeeze %dma_wait3A_88 : memref<1x50x128xi32, #tpu.memory_space<hbm>> -> memref<50x128xi32, #tpu.memory_space<hbm>>
      tpu.wait_dma2 semaphore(%run_scoped3A : memref<!tpu.dma_semaphore, #tpu.memory_space<semaphore_mem>>) src(%dma_wait3A_89 : memref<50x128xi32, #tpu.memory_space<hbm>>) dst(%arg5 : memref<50x128xi32, #tpu.memory_space<vmem>>)
      tpu.yield
    }) : () -> ()
    %dma_start3A = arith.constant 0 : i32
    %dma_start3A_3 = arith.constant 0 : i32
    %dma_start3A_4 = arith.constant 0 : i32
    %dma_start3A_5 = arith.constant 0 : i32
    %dma_start3A_6 = tpu.memref_slice %arg6[%dma_start3A_3, %dma_start3A_4, %dma_start3A_5] : memref<4x128x128xf32, #tpu.memory_space<vmem>> -> memref<1x128x128xf32, #tpu.memory_space<vmem>>
    %dma_start3A_7 = tpu.memref_squeeze %dma_start3A_6 : memref<1x128x128xf32, #tpu.memory_space<vmem>> -> memref<128x128xf32, #tpu.memory_space<vmem>>
    %dma_start3A_8 = arith.constant 0 : i32
    %dma_start3A_9 = tpu.memref_slice %arg5[%dma_start3A, %dma_start3A_8] : memref<50x128xi32, #tpu.memory_space<vmem>> -> memref<1x128xi32, #tpu.memory_space<vmem>>
    %dma_start3A_10 = tpu.memref_squeeze %dma_start3A_9 : memref<1x128xi32, #tpu.memory_space<vmem>> -> memref<128xi32, #tpu.memory_space<vmem>>
    %dma_start3A_11 = arith.constant 0 : i32
    %dma_start3A_12 = arith.constant 0 : i32
    %dma_start3A_13 = tpu.memref_slice %arg3[%dma_start3A_11, %dma_start3A_12] : memref<100000x128xf32, #tpu.memory_space<hbm>> -> memref<100000x128xf32, #tpu.memory_space<hbm>>
    tpu.enqueue_indirect_dma source(%dma_start3A_13 : memref<100000x128xf32, #tpu.memory_space<hbm>>) target(%dma_start3A_7 : memref<128x128xf32, #tpu.memory_space<vmem>>) offsets(%dma_start3A_10 : memref<128xi32, #tpu.memory_space<vmem>>) semaphore(%arg7 : memref<!tpu.dma_semaphore, #tpu.memory_space<semaphore_mem>>)
    %dma_start3A_14 = arith.constant 1 : i32
    %dma_start3A_15 = arith.constant 1 : i32
    %dma_start3A_16 = arith.constant 0 : i32
    %dma_start3A_17 = arith.constant 0 : i32
    %dma_start3A_18 = tpu.memref_slice %arg6[%dma_start3A_15, %dma_start3A_16, %dma_start3A_17] : memref<4x128x128xf32, #tpu.memory_space<vmem>> -> memref<1x128x128xf32, #tpu.memory_space<vmem>>
    %dma_start3A_19 = tpu.memref_squeeze %dma_start3A_18 : memref<1x128x128xf32, #tpu.memory_space<vmem>> -> memref<128x128xf32, #tpu.memory_space<vmem>>
    %dma_start3A_20 = arith.constant 0 : i32
    %dma_start3A_21 = tpu.memref_slice %arg5[%dma_start3A_14, %dma_start3A_20] : memref<50x128xi32, #tpu.memory_space<vmem>> -> memref<1x128xi32, #tpu.memory_space<vmem>>
    %dma_start3A_22 = tpu.memref_squeeze %dma_start3A_21 : memref<1x128xi32, #tpu.memory_space<vmem>> -> memref<128xi32, #tpu.memory_space<vmem>>
    %dma_start3A_23 = arith.constant 0 : i32
    %dma_start3A_24 = arith.constant 0 : i32
    %dma_start3A_25 = tpu.memref_slice %arg3[%dma_start3A_23, %dma_start3A_24] : memref<100000x128xf32, #tpu.memory_space<hbm>> -> memref<100000x128xf32, #tpu.memory_space<hbm>>
    tpu.enqueue_indirect_dma source(%dma_start3A_25 : memref<100000x128xf32, #tpu.memory_space<hbm>>) target(%dma_start3A_19 : memref<128x128xf32, #tpu.memory_space<vmem>>) offsets(%dma_start3A_22 : memref<128xi32, #tpu.memory_space<vmem>>) semaphore(%arg8 : memref<!tpu.dma_semaphore, #tpu.memory_space<semaphore_mem>>)
    %scan3A = arith.constant 0 : i32
    %scan3A_26 = arith.constant 0 : i32
    %scan3A_27 = arith.constant 25 : i32
    %scan3A_28 = arith.addi %scan3A_26, %scan3A_27 : i32
    %scan3A_29 = arith.constant 1 : i32
    scf.for %scan3A_74 = %scan3A_26 to %scan3A_28 step %scan3A_29  : i32 {
      %rem3A = arith.constant 2 : i32
      %rem3A_75 = arith.remsi %scan3A_74, %rem3A : i32
      %sub3A = arith.constant 1 : i32
      %sub3A_76 = arith.subi %sub3A, %rem3A_75 : i32
      %mul3A_77 = arith.constant 2 : i32
      %mul3A_78 = arith.muli %scan3A_74, %mul3A_77 : i32
      %add3A_79 = arith.constant 0 : i32
      %add3A_80 = arith.addi %mul3A_78, %add3A_79 : i32
      %mul3A_81 = arith.constant 2 : i32
      %mul3A_82 = arith.muli %rem3A_75, %mul3A_81 : i32
      %add3A_83 = arith.constant 0 : i32
      %add3A_84 = arith.addi %mul3A_82, %add3A_83 : i32
      %mul3A_85 = arith.constant 2 : i32
      %mul3A_86 = arith.muli %sub3A_76, %mul3A_85 : i32
      %add3A_87 = arith.constant 0 : i32
      %add3A_88 = arith.addi %mul3A_86, %add3A_87 : i32
      %dma_wait3A_89 = arith.constant 0 : i32
      %dma_wait3A_90 = arith.constant 0 : i32
      %dma_wait3A_91 = tpu.memref_slice %arg6[%add3A_84, %dma_wait3A_89, %dma_wait3A_90] : memref<4x128x128xf32, #tpu.memory_space<vmem>> -> memref<1x128x128xf32, #tpu.memory_space<vmem>>
      %dma_wait3A_92 = tpu.memref_squeeze %dma_wait3A_91 : memref<1x128x128xf32, #tpu.memory_space<vmem>> -> memref<128x128xf32, #tpu.memory_space<vmem>>
      %dma_wait3A_93 = arith.constant 0 : i32
      %dma_wait3A_94 = tpu.memref_slice %arg5[%add3A_80, %dma_wait3A_93] : memref<50x128xi32, #tpu.memory_space<vmem>> -> memref<1x128xi32, #tpu.memory_space<vmem>>
      %dma_wait3A_95 = tpu.memref_squeeze %dma_wait3A_94 : memref<1x128xi32, #tpu.memory_space<vmem>> -> memref<128xi32, #tpu.memory_space<vmem>>
      %dma_wait3A_96 = arith.constant 0 : i32
      %dma_wait3A_97 = arith.constant 0 : i32
      %dma_wait3A_98 = tpu.memref_slice %arg3[%dma_wait3A_96, %dma_wait3A_97] : memref<100000x128xf32, #tpu.memory_space<hbm>> -> memref<100000x128xf32, #tpu.memory_space<hbm>>
      tpu.wait_indirect_dma semaphore(%arg7 : memref<!tpu.dma_semaphore, #tpu.memory_space<semaphore_mem>>) src(%dma_wait3A_98 : memref<100000x128xf32, #tpu.memory_space<hbm>>) dst(%dma_wait3A_92 : memref<128x128xf32, #tpu.memory_space<vmem>>)
      %gt3A = arith.constant 0 : i32
      %gt3A_99 = arith.cmpi sgt, %scan3A_74, %gt3A : i32
      %convert_element_type3A = arith.extui %gt3A_99 : i1 to i32
      %cond3A = arith.constant 0 : i32
      %cond3A_100 = arith.cmpi ne, %convert_element_type3A, %cond3A : i32
      scf.if %cond3A_100 {
        %dma_wait3A_177 = arith.constant 0 : i32
        %dma_wait3A_178 = arith.constant 0 : i32
        %dma_wait3A_179 = tpu.memref_slice %arg6[%add3A_88, %dma_wait3A_177, %dma_wait3A_178] : memref<4x128x128xf32, #tpu.memory_space<vmem>> -> memref<1x128x128xf32, #tpu.memory_space<vmem>>
        %dma_wait3A_180 = tpu.memref_squeeze %dma_wait3A_179 : memref<1x128x128xf32, #tpu.memory_space<vmem>> -> memref<128x128xf32, #tpu.memory_space<vmem>>
        %dma_wait3A_181 = arith.constant 0 : i32
        %dma_wait3A_182 = arith.constant 0 : i32
        %dma_wait3A_183 = tpu.memref_slice %arg4[%add3A_80, %dma_wait3A_181, %dma_wait3A_182] : memref<50x4096x128xf32, #tpu.memory_space<hbm>> -> memref<1x4096x128xf32, #tpu.memory_space<hbm>>
        %dma_wait3A_184 = tpu.memref_squeeze %dma_wait3A_183 : memref<1x4096x128xf32, #tpu.memory_space<hbm>> -> memref<4096x128xf32, #tpu.memory_space<hbm>>
        %dma_wait3A_185 = arith.constant 0 : i32
        %dma_wait3A_186 = tpu.memref_slice %dma_wait3A_184[%mul3A_2, %dma_wait3A_185] : memref<4096x128xf32, #tpu.memory_space<hbm>> -> memref<128x128xf32, #tpu.memory_space<hbm>>
        %dma_wait3A_187 = arith.constant 0 : i32
        %dma_wait3A_188 = arith.constant 0 : i32
        %dma_wait3A_189 = tpu.memref_slice %arg4[%add3A_80, %dma_wait3A_187, %dma_wait3A_188] : memref<50x4096x128xf32, #tpu.memory_space<hbm>> -> memref<1x4096x128xf32, #tpu.memory_space<hbm>>
        %dma_wait3A_190 = tpu.memref_squeeze %dma_wait3A_189 : memref<1x4096x128xf32, #tpu.memory_space<hbm>> -> memref<4096x128xf32, #tpu.memory_space<hbm>>
        %dma_wait3A_191 = arith.constant 0 : i32
        %dma_wait3A_192 = tpu.memref_slice %dma_wait3A_190[%mul3A_2, %dma_wait3A_191] : memref<4096x128xf32, #tpu.memory_space<hbm>> -> memref<128x128xf32, #tpu.memory_space<hbm>>
        %dma_wait3A_193 = arith.constant 0 : i32
        %dma_wait3A_194 = arith.constant 0 : i32
        %dma_wait3A_195 = tpu.memref_slice %arg6[%add3A_88, %dma_wait3A_193, %dma_wait3A_194] : memref<4x128x128xf32, #tpu.memory_space<vmem>> -> memref<1x128x128xf32, #tpu.memory_space<vmem>>
        %dma_wait3A_196 = tpu.memref_squeeze %dma_wait3A_195 : memref<1x128x128xf32, #tpu.memory_space<vmem>> -> memref<128x128xf32, #tpu.memory_space<vmem>>
        tpu.wait_dma2 semaphore(%arg9 : memref<!tpu.dma_semaphore, #tpu.memory_space<semaphore_mem>>) src(%dma_wait3A_196 : memref<128x128xf32, #tpu.memory_space<vmem>>) dst(%dma_wait3A_192 : memref<128x128xf32, #tpu.memory_space<hbm>>)
      } else {
      }
      %dma_start3A_101 = arith.constant 0 : i32
      %dma_start3A_102 = arith.constant 0 : i32
      %dma_start3A_103 = tpu.memref_slice %arg6[%add3A_84, %dma_start3A_101, %dma_start3A_102] : memref<4x128x128xf32, #tpu.memory_space<vmem>> -> memref<1x128x128xf32, #tpu.memory_space<vmem>>
      %dma_start3A_104 = tpu.memref_squeeze %dma_start3A_103 : memref<1x128x128xf32, #tpu.memory_space<vmem>> -> memref<128x128xf32, #tpu.memory_space<vmem>>
      %dma_start3A_105 = arith.constant 0 : i32
      %dma_start3A_106 = arith.constant 0 : i32
      %dma_start3A_107 = tpu.memref_slice %arg4[%add3A_80, %dma_start3A_105, %dma_start3A_106] : memref<50x4096x128xf32, #tpu.memory_space<hbm>> -> memref<1x4096x128xf32, #tpu.memory_space<hbm>>
      %dma_start3A_108 = tpu.memref_squeeze %dma_start3A_107 : memref<1x4096x128xf32, #tpu.memory_space<hbm>> -> memref<4096x128xf32, #tpu.memory_space<hbm>>
      %dma_start3A_109 = arith.constant 0 : i32
      %dma_start3A_110 = tpu.memref_slice %dma_start3A_108[%mul3A_2, %dma_start3A_109] : memref<4096x128xf32, #tpu.memory_space<hbm>> -> memref<128x128xf32, #tpu.memory_space<hbm>>
      %dma_start3A_111 = arith.constant 0 : i32
      %dma_start3A_112 = arith.constant 0 : i32
      %dma_start3A_113 = tpu.memref_slice %arg4[%add3A_80, %dma_start3A_111, %dma_start3A_112] : memref<50x4096x128xf32, #tpu.memory_space<hbm>> -> memref<1x4096x128xf32, #tpu.memory_space<hbm>>
      %dma_start3A_114 = tpu.memref_squeeze %dma_start3A_113 : memref<1x4096x128xf32, #tpu.memory_space<hbm>> -> memref<4096x128xf32, #tpu.memory_space<hbm>>
      %dma_start3A_115 = arith.constant 0 : i32
      %dma_start3A_116 = tpu.memref_slice %dma_start3A_114[%mul3A_2, %dma_start3A_115] : memref<4096x128xf32, #tpu.memory_space<hbm>> -> memref<128x128xf32, #tpu.memory_space<hbm>>
      %dma_start3A_117 = arith.constant 0 : i32
      %dma_start3A_118 = arith.constant 0 : i32
      %dma_start3A_119 = tpu.memref_slice %arg6[%add3A_84, %dma_start3A_117, %dma_start3A_118] : memref<4x128x128xf32, #tpu.memory_space<vmem>> -> memref<1x128x128xf32, #tpu.memory_space<vmem>>
      %dma_start3A_120 = tpu.memref_squeeze %dma_start3A_119 : memref<1x128x128xf32, #tpu.memory_space<vmem>> -> memref<128x128xf32, #tpu.memory_space<vmem>>
      tpu.enqueue_dma source(%dma_start3A_120 : memref<128x128xf32, #tpu.memory_space<vmem>>) target(%dma_start3A_116 : memref<128x128xf32, #tpu.memory_space<hbm>>) target_semaphore(%arg9 : memref<!tpu.dma_semaphore, #tpu.memory_space<semaphore_mem>>)
      %lt3A = arith.constant 24 : i32
      %lt3A_121 = arith.cmpi slt, %scan3A_74, %lt3A : i32
      %convert_element_type3A_122 = arith.extui %lt3A_121 : i1 to i32
      %cond3A_123 = arith.constant 0 : i32
      %cond3A_124 = arith.cmpi ne, %convert_element_type3A_122, %cond3A_123 : i32
      scf.if %cond3A_124 {
        %add3A_177 = arith.constant 2 : i32
        %add3A_178 = arith.addi %add3A_80, %add3A_177 : i32
        %dma_start3A_179 = arith.constant 0 : i32
        %dma_start3A_180 = arith.constant 0 : i32
        %dma_start3A_181 = tpu.memref_slice %arg6[%add3A_88, %dma_start3A_179, %dma_start3A_180] : memref<4x128x128xf32, #tpu.memory_space<vmem>> -> memref<1x128x128xf32, #tpu.memory_space<vmem>>
        %dma_start3A_182 = tpu.memref_squeeze %dma_start3A_181 : memref<1x128x128xf32, #tpu.memory_space<vmem>> -> memref<128x128xf32, #tpu.memory_space<vmem>>
        %dma_start3A_183 = arith.constant 0 : i32
        %dma_start3A_184 = tpu.memref_slice %arg5[%add3A_178, %dma_start3A_183] : memref<50x128xi32, #tpu.memory_space<vmem>> -> memref<1x128xi32, #tpu.memory_space<vmem>>
        %dma_start3A_185 = tpu.memref_squeeze %dma_start3A_184 : memref<1x128xi32, #tpu.memory_space<vmem>> -> memref<128xi32, #tpu.memory_space<vmem>>
        %dma_start3A_186 = arith.constant 0 : i32
        %dma_start3A_187 = arith.constant 0 : i32
        %dma_start3A_188 = tpu.memref_slice %arg3[%dma_start3A_186, %dma_start3A_187] : memref<100000x128xf32, #tpu.memory_space<hbm>> -> memref<100000x128xf32, #tpu.memory_space<hbm>>
        tpu.enqueue_indirect_dma source(%dma_start3A_188 : memref<100000x128xf32, #tpu.memory_space<hbm>>) target(%dma_start3A_182 : memref<128x128xf32, #tpu.memory_space<vmem>>) offsets(%dma_start3A_185 : memref<128xi32, #tpu.memory_space<vmem>>) semaphore(%arg7 : memref<!tpu.dma_semaphore, #tpu.memory_space<semaphore_mem>>)
      } else {
      }
      %mul3A_125 = arith.constant 2 : i32
      %mul3A_126 = arith.muli %scan3A_74, %mul3A_125 : i32
      %add3A_127 = arith.constant 1 : i32
      %add3A_128 = arith.addi %mul3A_126, %add3A_127 : i32
      %mul3A_129 = arith.constant 2 : i32
      %mul3A_130 = arith.muli %rem3A_75, %mul3A_129 : i32
      %add3A_131 = arith.constant 1 : i32
      %add3A_132 = arith.addi %mul3A_130, %add3A_131 : i32
      %mul3A_133 = arith.constant 2 : i32
      %mul3A_134 = arith.muli %sub3A_76, %mul3A_133 : i32
      %add3A_135 = arith.constant 1 : i32
      %add3A_136 = arith.addi %mul3A_134, %add3A_135 : i32
      %dma_wait3A_137 = arith.constant 0 : i32
      %dma_wait3A_138 = arith.constant 0 : i32
      %dma_wait3A_139 = tpu.memref_slice %arg6[%add3A_132, %dma_wait3A_137, %dma_wait3A_138] : memref<4x128x128xf32, #tpu.memory_space<vmem>> -> memref<1x128x128xf32, #tpu.memory_space<vmem>>
      %dma_wait3A_140 = tpu.memref_squeeze %dma_wait3A_139 : memref<1x128x128xf32, #tpu.memory_space<vmem>> -> memref<128x128xf32, #tpu.memory_space<vmem>>
      %dma_wait3A_141 = arith.constant 0 : i32
      %dma_wait3A_142 = tpu.memref_slice %arg5[%add3A_128, %dma_wait3A_141] : memref<50x128xi32, #tpu.memory_space<vmem>> -> memref<1x128xi32, #tpu.memory_space<vmem>>
      %dma_wait3A_143 = tpu.memref_squeeze %dma_wait3A_142 : memref<1x128xi32, #tpu.memory_space<vmem>> -> memref<128xi32, #tpu.memory_space<vmem>>
      %dma_wait3A_144 = arith.constant 0 : i32
      %dma_wait3A_145 = arith.constant 0 : i32
      %dma_wait3A_146 = tpu.memref_slice %arg3[%dma_wait3A_144, %dma_wait3A_145] : memref<100000x128xf32, #tpu.memory_space<hbm>> -> memref<100000x128xf32, #tpu.memory_space<hbm>>
      tpu.wait_indirect_dma semaphore(%arg8 : memref<!tpu.dma_semaphore, #tpu.memory_space<semaphore_mem>>) src(%dma_wait3A_146 : memref<100000x128xf32, #tpu.memory_space<hbm>>) dst(%dma_wait3A_140 : memref<128x128xf32, #tpu.memory_space<vmem>>)
      %gt3A_147 = arith.constant 0 : i32
      %gt3A_148 = arith.cmpi sgt, %scan3A_74, %gt3A_147 : i32
      %convert_element_type3A_149 = arith.extui %gt3A_148 : i1 to i32
      %cond3A_150 = arith.constant 0 : i32
      %cond3A_151 = arith.cmpi ne, %convert_element_type3A_149, %cond3A_150 : i32
      scf.if %cond3A_151 {
        %dma_wait3A_177 = arith.constant 0 : i32
        %dma_wait3A_178 = arith.constant 0 : i32
        %dma_wait3A_179 = tpu.memref_slice %arg6[%add3A_136, %dma_wait3A_177, %dma_wait3A_178] : memref<4x128x128xf32, #tpu.memory_space<vmem>> -> memref<1x128x128xf32, #tpu.memory_space<vmem>>
        %dma_wait3A_180 = tpu.memref_squeeze %dma_wait3A_179 : memref<1x128x128xf32, #tpu.memory_space<vmem>> -> memref<128x128xf32, #tpu.memory_space<vmem>>
        %dma_wait3A_181 = arith.constant 0 : i32
        %dma_wait3A_182 = arith.constant 0 : i32
        %dma_wait3A_183 = tpu.memref_slice %arg4[%add3A_128, %dma_wait3A_181, %dma_wait3A_182] : memref<50x4096x128xf32, #tpu.memory_space<hbm>> -> memref<1x4096x128xf32, #tpu.memory_space<hbm>>
        %dma_wait3A_184 = tpu.memref_squeeze %dma_wait3A_183 : memref<1x4096x128xf32, #tpu.memory_space<hbm>> -> memref<4096x128xf32, #tpu.memory_space<hbm>>
        %dma_wait3A_185 = arith.constant 0 : i32
        %dma_wait3A_186 = tpu.memref_slice %dma_wait3A_184[%mul3A_2, %dma_wait3A_185] : memref<4096x128xf32, #tpu.memory_space<hbm>> -> memref<128x128xf32, #tpu.memory_space<hbm>>
        %dma_wait3A_187 = arith.constant 0 : i32
        %dma_wait3A_188 = arith.constant 0 : i32
        %dma_wait3A_189 = tpu.memref_slice %arg4[%add3A_128, %dma_wait3A_187, %dma_wait3A_188] : memref<50x4096x128xf32, #tpu.memory_space<hbm>> -> memref<1x4096x128xf32, #tpu.memory_space<hbm>>
        %dma_wait3A_190 = tpu.memref_squeeze %dma_wait3A_189 : memref<1x4096x128xf32, #tpu.memory_space<hbm>> -> memref<4096x128xf32, #tpu.memory_space<hbm>>
        %dma_wait3A_191 = arith.constant 0 : i32
        %dma_wait3A_192 = tpu.memref_slice %dma_wait3A_190[%mul3A_2, %dma_wait3A_191] : memref<4096x128xf32, #tpu.memory_space<hbm>> -> memref<128x128xf32, #tpu.memory_space<hbm>>
        %dma_wait3A_193 = arith.constant 0 : i32
        %dma_wait3A_194 = arith.constant 0 : i32
        %dma_wait3A_195 = tpu.memref_slice %arg6[%add3A_136, %dma_wait3A_193, %dma_wait3A_194] : memref<4x128x128xf32, #tpu.memory_space<vmem>> -> memref<1x128x128xf32, #tpu.memory_space<vmem>>
        %dma_wait3A_196 = tpu.memref_squeeze %dma_wait3A_195 : memref<1x128x128xf32, #tpu.memory_space<vmem>> -> memref<128x128xf32, #tpu.memory_space<vmem>>
        tpu.wait_dma2 semaphore(%arg10 : memref<!tpu.dma_semaphore, #tpu.memory_space<semaphore_mem>>) src(%dma_wait3A_196 : memref<128x128xf32, #tpu.memory_space<vmem>>) dst(%dma_wait3A_192 : memref<128x128xf32, #tpu.memory_space<hbm>>)
      } else {
      }
      %dma_start3A_152 = arith.constant 0 : i32
      %dma_start3A_153 = arith.constant 0 : i32
      %dma_start3A_154 = tpu.memref_slice %arg6[%add3A_132, %dma_start3A_152, %dma_start3A_153] : memref<4x128x128xf32, #tpu.memory_space<vmem>> -> memref<1x128x128xf32, #tpu.memory_space<vmem>>
      %dma_start3A_155 = tpu.memref_squeeze %dma_start3A_154 : memref<1x128x128xf32, #tpu.memory_space<vmem>> -> memref<128x128xf32, #tpu.memory_space<vmem>>
      %dma_start3A_156 = arith.constant 0 : i32
      %dma_start3A_157 = arith.constant 0 : i32
      %dma_start3A_158 = tpu.memref_slice %arg4[%add3A_128, %dma_start3A_156, %dma_start3A_157] : memref<50x4096x128xf32, #tpu.memory_space<hbm>> -> memref<1x4096x128xf32, #tpu.memory_space<hbm>>
      %dma_start3A_159 = tpu.memref_squeeze %dma_start3A_158 : memref<1x4096x128xf32, #tpu.memory_space<hbm>> -> memref<4096x128xf32, #tpu.memory_space<hbm>>
      %dma_start3A_160 = arith.constant 0 : i32
      %dma_start3A_161 = tpu.memref_slice %dma_start3A_159[%mul3A_2, %dma_start3A_160] : memref<4096x128xf32, #tpu.memory_space<hbm>> -> memref<128x128xf32, #tpu.memory_space<hbm>>
      %dma_start3A_162 = arith.constant 0 : i32
      %dma_start3A_163 = arith.constant 0 : i32
      %dma_start3A_164 = tpu.memref_slice %arg4[%add3A_128, %dma_start3A_162, %dma_start3A_163] : memref<50x4096x128xf32, #tpu.memory_space<hbm>> -> memref<1x4096x128xf32, #tpu.memory_space<hbm>>
      %dma_start3A_165 = tpu.memref_squeeze %dma_start3A_164 : memref<1x4096x128xf32, #tpu.memory_space<hbm>> -> memref<4096x128xf32, #tpu.memory_space<hbm>>
      %dma_start3A_166 = arith.constant 0 : i32
      %dma_start3A_167 = tpu.memref_slice %dma_start3A_165[%mul3A_2, %dma_start3A_166] : memref<4096x128xf32, #tpu.memory_space<hbm>> -> memref<128x128xf32, #tpu.memory_space<hbm>>
      %dma_start3A_168 = arith.constant 0 : i32
      %dma_start3A_169 = arith.constant 0 : i32
      %dma_start3A_170 = tpu.memref_slice %arg6[%add3A_132, %dma_start3A_168, %dma_start3A_169] : memref<4x128x128xf32, #tpu.memory_space<vmem>> -> memref<1x128x128xf32, #tpu.memory_space<vmem>>
      %dma_start3A_171 = tpu.memref_squeeze %dma_start3A_170 : memref<1x128x128xf32, #tpu.memory_space<vmem>> -> memref<128x128xf32, #tpu.memory_space<vmem>>
      tpu.enqueue_dma source(%dma_start3A_171 : memref<128x128xf32, #tpu.memory_space<vmem>>) target(%dma_start3A_167 : memref<128x128xf32, #tpu.memory_space<hbm>>) target_semaphore(%arg10 : memref<!tpu.dma_semaphore, #tpu.memory_space<semaphore_mem>>)
      %lt3A_172 = arith.constant 24 : i32
      %lt3A_173 = arith.cmpi slt, %scan3A_74, %lt3A_172 : i32
      %convert_element_type3A_174 = arith.extui %lt3A_173 : i1 to i32
      %cond3A_175 = arith.constant 0 : i32
      %cond3A_176 = arith.cmpi ne, %convert_element_type3A_174, %cond3A_175 : i32
      scf.if %cond3A_176 {
        %add3A_177 = arith.constant 2 : i32
        %add3A_178 = arith.addi %add3A_128, %add3A_177 : i32
        %dma_start3A_179 = arith.constant 0 : i32
        %dma_start3A_180 = arith.constant 0 : i32
        %dma_start3A_181 = tpu.memref_slice %arg6[%add3A_136, %dma_start3A_179, %dma_start3A_180] : memref<4x128x128xf32, #tpu.memory_space<vmem>> -> memref<1x128x128xf32, #tpu.memory_space<vmem>>
        %dma_start3A_182 = tpu.memref_squeeze %dma_start3A_181 : memref<1x128x128xf32, #tpu.memory_space<vmem>> -> memref<128x128xf32, #tpu.memory_space<vmem>>
        %dma_start3A_183 = arith.constant 0 : i32
        %dma_start3A_184 = tpu.memref_slice %arg5[%add3A_178, %dma_start3A_183] : memref<50x128xi32, #tpu.memory_space<vmem>> -> memref<1x128xi32, #tpu.memory_space<vmem>>
        %dma_start3A_185 = tpu.memref_squeeze %dma_start3A_184 : memref<1x128xi32, #tpu.memory_space<vmem>> -> memref<128xi32, #tpu.memory_space<vmem>>
        %dma_start3A_186 = arith.constant 0 : i32
        %dma_start3A_187 = arith.constant 0 : i32
        %dma_start3A_188 = tpu.memref_slice %arg3[%dma_start3A_186, %dma_start3A_187] : memref<100000x128xf32, #tpu.memory_space<hbm>> -> memref<100000x128xf32, #tpu.memory_space<hbm>>
        tpu.enqueue_indirect_dma source(%dma_start3A_188 : memref<100000x128xf32, #tpu.memory_space<hbm>>) target(%dma_start3A_182 : memref<128x128xf32, #tpu.memory_space<vmem>>) offsets(%dma_start3A_185 : memref<128xi32, #tpu.memory_space<vmem>>) semaphore(%arg8 : memref<!tpu.dma_semaphore, #tpu.memory_space<semaphore_mem>>)
      } else {
      }
    }
    %scan3A_30 = arith.constant 25 : i32
    %dma_wait3A = arith.constant 0 : i32
    %dma_wait3A_31 = arith.constant 0 : i32
    %dma_wait3A_32 = arith.constant 0 : i32
    %dma_wait3A_33 = arith.constant 0 : i32
    %dma_wait3A_34 = tpu.memref_slice %arg6[%dma_wait3A, %dma_wait3A_32, %dma_wait3A_33] : memref<4x128x128xf32, #tpu.memory_space<vmem>> -> memref<1x128x128xf32, #tpu.memory_space<vmem>>
    %dma_wait3A_35 = tpu.memref_squeeze %dma_wait3A_34 : memref<1x128x128xf32, #tpu.memory_space<vmem>> -> memref<128x128xf32, #tpu.memory_space<vmem>>
    %dma_wait3A_36 = arith.constant 0 : i32
    %dma_wait3A_37 = arith.constant 0 : i32
    %dma_wait3A_38 = tpu.memref_slice %arg4[%dma_wait3A_31, %dma_wait3A_36, %dma_wait3A_37] : memref<50x4096x128xf32, #tpu.memory_space<hbm>> -> memref<1x4096x128xf32, #tpu.memory_space<hbm>>
    %dma_wait3A_39 = tpu.memref_squeeze %dma_wait3A_38 : memref<1x4096x128xf32, #tpu.memory_space<hbm>> -> memref<4096x128xf32, #tpu.memory_space<hbm>>
    %dma_wait3A_40 = arith.constant 0 : i32
    %dma_wait3A_41 = tpu.memref_slice %dma_wait3A_39[%mul3A_2, %dma_wait3A_40] : memref<4096x128xf32, #tpu.memory_space<hbm>> -> memref<128x128xf32, #tpu.memory_space<hbm>>
    %dma_wait3A_42 = arith.constant 0 : i32
    %dma_wait3A_43 = arith.constant 0 : i32
    %dma_wait3A_44 = tpu.memref_slice %arg4[%dma_wait3A_31, %dma_wait3A_42, %dma_wait3A_43] : memref<50x4096x128xf32, #tpu.memory_space<hbm>> -> memref<1x4096x128xf32, #tpu.memory_space<hbm>>
    %dma_wait3A_45 = tpu.memref_squeeze %dma_wait3A_44 : memref<1x4096x128xf32, #tpu.memory_space<hbm>> -> memref<4096x128xf32, #tpu.memory_space<hbm>>
    %dma_wait3A_46 = arith.constant 0 : i32
    %dma_wait3A_47 = tpu.memref_slice %dma_wait3A_45[%mul3A_2, %dma_wait3A_46] : memref<4096x128xf32, #tpu.memory_space<hbm>> -> memref<128x128xf32, #tpu.memory_space<hbm>>
    %dma_wait3A_48 = arith.constant 0 : i32
    %dma_wait3A_49 = arith.constant 0 : i32
    %dma_wait3A_50 = tpu.memref_slice %arg6[%dma_wait3A, %dma_wait3A_48, %dma_wait3A_49] : memref<4x128x128xf32, #tpu.memory_space<vmem>> -> memref<1x128x128xf32, #tpu.memory_space<vmem>>
    %dma_wait3A_51 = tpu.memref_squeeze %dma_wait3A_50 : memref<1x128x128xf32, #tpu.memory_space<vmem>> -> memref<128x128xf32, #tpu.memory_space<vmem>>
    tpu.wait_dma2 semaphore(%arg9 : memref<!tpu.dma_semaphore, #tpu.memory_space<semaphore_mem>>) src(%dma_wait3A_51 : memref<128x128xf32, #tpu.memory_space<vmem>>) dst(%dma_wait3A_47 : memref<128x128xf32, #tpu.memory_space<hbm>>)
    %dma_wait3A_52 = arith.constant 1 : i32
    %dma_wait3A_53 = arith.constant 0 : i32
    %dma_wait3A_54 = arith.constant 0 : i32
    %dma_wait3A_55 = arith.constant 0 : i32
    %dma_wait3A_56 = tpu.memref_slice %arg6[%dma_wait3A_52, %dma_wait3A_54, %dma_wait3A_55] : memref<4x128x128xf32, #tpu.memory_space<vmem>> -> memref<1x128x128xf32, #tpu.memory_space<vmem>>
    %dma_wait3A_57 = tpu.memref_squeeze %dma_wait3A_56 : memref<1x128x128xf32, #tpu.memory_space<vmem>> -> memref<128x128xf32, #tpu.memory_space<vmem>>
    %dma_wait3A_58 = arith.constant 0 : i32
    %dma_wait3A_59 = arith.constant 0 : i32
    %dma_wait3A_60 = tpu.memref_slice %arg4[%dma_wait3A_53, %dma_wait3A_58, %dma_wait3A_59] : memref<50x4096x128xf32, #tpu.memory_space<hbm>> -> memref<1x4096x128xf32, #tpu.memory_space<hbm>>
    %dma_wait3A_61 = tpu.memref_squeeze %dma_wait3A_60 : memref<1x4096x128xf32, #tpu.memory_space<hbm>> -> memref<4096x128xf32, #tpu.memory_space<hbm>>
    %dma_wait3A_62 = arith.constant 0 : i32
    %dma_wait3A_63 = tpu.memref_slice %dma_wait3A_61[%mul3A_2, %dma_wait3A_62] : memref<4096x128xf32, #tpu.memory_space<hbm>> -> memref<128x128xf32, #tpu.memory_space<hbm>>
    %dma_wait3A_64 = arith.constant 0 : i32
    %dma_wait3A_65 = arith.constant 0 : i32
    %dma_wait3A_66 = tpu.memref_slice %arg4[%dma_wait3A_53, %dma_wait3A_64, %dma_wait3A_65] : memref<50x4096x128xf32, #tpu.memory_space<hbm>> -> memref<1x4096x128xf32, #tpu.memory_space<hbm>>
    %dma_wait3A_67 = tpu.memref_squeeze %dma_wait3A_66 : memref<1x4096x128xf32, #tpu.memory_space<hbm>> -> memref<4096x128xf32, #tpu.memory_space<hbm>>
    %dma_wait3A_68 = arith.constant 0 : i32
    %dma_wait3A_69 = tpu.memref_slice %dma_wait3A_67[%mul3A_2, %dma_wait3A_68] : memref<4096x128xf32, #tpu.memory_space<hbm>> -> memref<128x128xf32, #tpu.memory_space<hbm>>
    %dma_wait3A_70 = arith.constant 0 : i32
    %dma_wait3A_71 = arith.constant 0 : i32
    %dma_wait3A_72 = tpu.memref_slice %arg6[%dma_wait3A_52, %dma_wait3A_70, %dma_wait3A_71] : memref<4x128x128xf32, #tpu.memory_space<vmem>> -> memref<1x128x128xf32, #tpu.memory_space<vmem>>
    %dma_wait3A_73 = tpu.memref_squeeze %dma_wait3A_72 : memref<1x128x128xf32, #tpu.memory_space<vmem>> -> memref<128x128xf32, #tpu.memory_space<vmem>>
    tpu.wait_dma2 semaphore(%arg10 : memref<!tpu.dma_semaphore, #tpu.memory_space<semaphore_mem>>) src(%dma_wait3A_73 : memref<128x128xf32, #tpu.memory_space<vmem>>) dst(%dma_wait3A_69 : memref<128x128xf32, #tpu.memory_space<hbm>>)
    return
  }
}

</mosaic_0001>

<sc_bundles>
// kernel: kernel.3.cloned.1.call-start
scs
__scs_entry_jumppad:
0x0: {  	(pc) =	sbr.rel $0x88, $3  }
0x1: {  	(tag) =	ssettag $0x0;
	lr =	simm.s32 $0x1  }
0x2: {  	[smem:$0x3F9F] =	sst lr;
	_ =	strace $0xD0000000  }
0x3: {  	_ = 	snop  }
0x4: {  	_ = 	snop  }
0x5: {  	_ = 	snop  }
0x6: {  	_ = 	snop  }
0x7: {  	_ = 	snop  }
__scs_overlays_trampoline_lowered:
0x8: {  	[smem:$0x3FAE] =	sst s0  }
0x9: {  	[smem:$0x3FAF] =	sst s1  }
0xa: {  	[smem:$0x3FB0] =	sst s2  }
0xb: {  	[smem:$0x3FB1] =	sst s3  }
0xc: {  	[smem:$0x3FB2] =	sst s4  }
0xd: {  	[smem:$0x3FB3] =	sst s5  }
0xe: {  	[smem:$0x3FB4] =	sst s6  }
0xf: {  	[smem:$0x3FB5] =	sst s7  }
0x10: {  	[smem:$0x3FB6] =	sst s8  }
0x11: {  	[smem:$0x3FB7] =	sst s9;
	s0 =	simm.s32 @!p0 $0x0  }
0x12: {  	s1 =	sld [smem:$0x3F9D];
	s0 =	simm.s32 @p0 $0x1  }
0x13: {  	[smem:$0x3FB8] =	sst s0;
	s0 =	simm.s32 @!p1 $0x0  }
0x14: {  	s2 =	sld [smem:$0x3F9C];
	s0 =	simm.s32 @p1 $0x1  }
0x15: {  	[smem:$0x3FB9] =	sst s0;
	s0 =	simm.s32 @!p2 $0x0  }
0x16: {  	s3 =	sld [smem:$0x3FDB];
	s0 =	simm.s32 @p2 $0x1  }
0x17: {  	s4 =	simm.s32 $0x1BF5;
	[smem:$0x3FBB] =	sst s0  }
0x18: {  	s0 =	sld [smem:$0x3F9E];
	_ =	swait.ge [sflag:s4], $0x0  }
0x19: {  	s7 =	sld [smem:$0x3F9F]  }
0x1a: {  	s8 =	sadd.s32 $0xFFFFE003, lr  }
0x1b: {  	s9 =	sadd.s32 $0xFFFFFEF7, lr;
	s5 =	simm.s32 $0xFFFFFFFF;
	p2 =	slt.u32 s8, $0xFFFFF086  }
0x1c: {  	p1 =	slt.u32 s9, $0xF7A;
	s5 =	simm.s32 @!p2 $0x0  }
0x1d: {  	s5 =	simm.s32 @p1 $0x1;
	p0 =	seq.s32 s7, s2  }
0x1e: {  	s7 =	smul.u32 @!p0 $0xF7A, s2;
	p2 =	seq.s32 @!p0 s5, $0x0  }
0x1f: {  	s9 =	smul.u32 $0xF7A, s1;
	s8 =	simm.s32 @!p0 $0x1BF5;
	p2 =	por !p2, p0  }
0x20: {  	[sflag:s8] =	ssyncset.s32 @!p0 $0xFFFFF086;
	s6 =	sadd.s32 @!p0 s3, s7;
	s7 =	simm.s32 @!p0 $0x108  }
0x21: {  	s3 =	sadd.s32 s3, s9;
	s6 =	sadd.s32 @!p0 $0x88, s6;
	s7 =	simm.s32 @p2 $0x1082  }
0x22: {  	[simem:s7], [sflag:s8] =	dma.local @!p0 [hbm:s6], $0xF7A  }
0x23: {  	s9 =	sor.u32 $0xD0000000, s2;
	s6 =	simm.s32 $0x108;
	_ =	swait.ge @!p0 [sflag:s8], $0x0  }
0x24: {  	s3 =	sadd.s32 $0x88, s3;
	s6 =	simm.s32 @!p1 $0x1082;
	[sflag:s4] =	ssyncset.s32 $0xFFFFF086  }
0x25: {  	[simem:s6], [sflag:s4] =	dma.local [hbm:s3], $0xF7A  }
0x26: {  	[smem:$0x3F9F] =	sst s1;
	(tag) =	ssettag s2;
	_ =	strace s9  }
0x27: {  	s1 =	sld [smem:$0x3FAF]  }
0x28: {  	s2 =	sld [smem:$0x3FB0]  }
0x29: {  	s4 =	sld [smem:$0x3FB2]  }
0x2a: {  	p0 =	seq.s32 s5, $0x0;
	s5 =	sld [smem:$0x3FB3]  }
0x2b: {  	s6 =	sld [smem:$0x3FB4]  }
0x2c: {  	s7 =	sld [smem:$0x3FB5]  }
0x2d: {  	s3 =	simm.s32 $0x108;
	s8 =	sld [smem:$0x3FB6]  }
0x2e: {  	s3 =	simm.s32 @!p0 $0x1082;
	s9 =	sld [smem:$0x3FB7]  }
0x2f: {  	lr =	sadd.s32 s0, s3;
	s0 =	sld [smem:$0x3FAE]  }
0x30: {  	s3 =	sld [smem:$0x3FB1]  }
0x31: {  	[smem:$0x3FBA] =	sst s10  }
0x32: {  	s10 =	sld [smem:$0x3FB8];
	_ =	sdelay $0x3  }
0x33: {  	p0 =	seq.s32 s10, $0x1;
	s10 =	sld [smem:$0x3FBA];
	_ =	sdelay $0x3  }
0x34: {  	[smem:$0x3FBA] =	sst s10  }
0x35: {  	s10 =	sld [smem:$0x3FB9];
	_ =	sdelay $0x3  }
0x36: {  	p1 =	seq.s32 s10, $0x1;
	s10 =	sld [smem:$0x3FBA];
	_ =	sdelay $0x3  }
0x37: {  	[smem:$0x3FBA] =	sst s10  }
0x38: {  	s10 =	sld [smem:$0x3FBB]  }
0x39: {  	_ = 	snop;
	(pc) =	sbr.ind lr, $3  }
0x3a: {  	_ = 	snop  }
0x3b: {  	_ = 	snop  }
0x3c: {  	p2 =	seq.s32 s10, $0x1;
	s10 =	sld [smem:$0x3FBA]  }
0x3d: {  	_ =	shalt  }
0x3e: {  	_ =	shalt  }
0x3f: {  	_ =	shalt  }
0x40: {  	_ =	shalt  }
0x41: {  	_ =	shalt  }
0x42: {  	_ =	shalt  }
0x43: {  	_ =	shalt  }
0x44: {  	_ =	shalt  }
0x45: {  	_ =	shalt  }
0x46: {  	_ =	shalt  }
0x47: {  	_ =	shalt  }
0x48: {  	_ =	shalt  }
0x49: {  	_ =	shalt  }
0x4a: {  	_ =	shalt  }
0x4b: {  	_ =	shalt  }
0x4c: {  	_ =	shalt  }
0x4d: {  	_ =	shalt  }
0x4e: {  	_ =	shalt  }
0x4f: {  	_ =	shalt  }
0x50: {  	_ =	shalt  }
0x51: {  	_ =	shalt  }
0x52: {  	_ =	shalt  }
0x53: {  	_ =	shalt  }
0x54: {  	_ =	shalt  }
0x55: {  	_ =	shalt  }
0x56: {  	_ =	shalt  }
0x57: {  	_ =	shalt  }
0x58: {  	_ =	shalt  }
0x59: {  	_ =	shalt  }
0x5a: {  	_ =	shalt  }
0x5b: {  	_ =	shalt  }
0x5c: {  	_ =	shalt  }
0x5d: {  	_ =	shalt  }
0x5e: {  	_ =	shalt  }
0x5f: {  	_ =	shalt  }
0x60: {  	_ =	shalt  }
0x61: {  	_ =	shalt  }
0x62: {  	_ =	shalt  }
0x63: {  	_ =	shalt  }
0x64: {  	_ =	shalt  }
0x65: {  	_ =	shalt  }
0x66: {  	_ =	shalt  }
0x67: {  	_ =	shalt  }
0x68: {  	_ =	shalt  }
0x69: {  	_ =	shalt  }
0x6a: {  	_ =	shalt  }
0x6b: {  	_ =	shalt  }
0x6c: {  	_ =	shalt  }
0x6d: {  	_ =	shalt  }
0x6e: {  	_ =	shalt  }
0x6f: {  	_ =	shalt  }
0x70: {  	_ =	shalt  }
0x71: {  	_ =	shalt  }
0x72: {  	_ =	shalt  }
0x73: {  	_ =	shalt  }
0x74: {  	_ =	shalt  }
0x75: {  	_ =	shalt  }
0x76: {  	_ =	shalt  }
0x77: {  	_ =	shalt  }
0x78: {  	_ =	shalt  }
0x79: {  	_ =	shalt  }
0x7a: {  	_ =	shalt  }
0x7b: {  	_ =	shalt  }
0x7c: {  	_ =	shalt  }
0x7d: {  	_ =	shalt  }
0x7e: {  	_ =	shalt  }
0x7f: {  	_ =	shalt  }
0x80: {  	_ =	shalt  }
0x81: {  	_ =	shalt  }
0x82: {  	_ =	shalt  }
0x83: {  	_ =	shalt  }
0x84: {  	_ =	shalt  }
0x85: {  	_ =	shalt  }
0x86: {  	_ =	shalt  }
0x87: {  	_ =	shalt  }
.Lfunc_end0:
.L_simem_size_0:
called_computation_lowered:
.L_overlay_start_0:
0x88: {  	s2 =	sld [smem:$0x3FD9]  }
0x89: {  	s3 =	sld [smem:$0x3FFE];
	_ =	sdelay $0x1  }
0x8a: {  	s1 =	srdreg.scid  }
0x8b: {  	s0 =	sand.u32 $0x1, s1  }
0x8c: {  	s17 =	sshll.u32 s0, $0xA;
	s2 =	sadd.s32 s3, s2  }
0x8d: {  	s2 =	sadd.s32 s2, s17  }
0x8e: {  	[smem:$0x3FC6] =	sst s2  }
0x8f: {  	_ = 	snop  }
0x90: {  	s2 =	sld [smem:$0x3FC8]  }
0x91: {  	s18 =	sld [smem:$0x3FD0];
	(tm) =	ssettm $0x1  }
0x92: {  	s4 =	sld [smem:$0x3FFB];
	_ =	sdelay $0x3  }
0x93: {  	_ =	strace s4  }
0x94: {  	s4 =	sld [smem:$0x3FFC];
	_ =	sdelay $0x3  }
0x95: {  	_ =	strace s4  }
0x96: {  	s4 =	sld [smem:$0x3FFD];
	_ =	sdelay $0x3  }
0x97: {  	_ =	strace s4  }
0x98: {  	_ =	strace $0x8FFFFFFF  }
0x99: {  	s19 =	sld [smem:$0x3FDB];
	_ =	sdelay $0x1  }
0x9a: {  	s5 =	simm.s32 $_scs_section_size  }
0x9b: {  	s6 =	simm.s32 $_size__tile_overlayer_lowered;
	s7 =	simm.s32 $_tile_overlayer_lowered  }
0x9c: {  	s22 =	simm.s32 $0x1BFF;
	s21 =	sshll.u32 s7, $0x1;
	s4 =	sadd.s32 s5, s19  }
0x9d: {  	s8 =	simm.s32 $0x0;
	s20 =	sshll.u32 s6, $0x1;
	s6 =	sadd.s32 s21, s4  }
0x9e: {  	[timem:s8], [sflag:s22] =	dma.local [hbm:s6], s20  }
0x9f: {  	_ =	swait.ge [sflag:s22], s20  }
0xa0: {  	s5 =	ssub.s32 $0x0, s20;
	[sflag:s22] =	ssyncset.done $0x0  }
0xa1: {  	[sflag:s22] =	ssyncadd.s32 s5;
	_ =	sdelay $0x1  }
0xa2: {  	s23 =	simm.s32 $0x1B8B  }
0xa3: {  	_ =	swait.ge [sflag:s23], $0x1  }
0xa4: {  	[sflag:s23] =	ssyncset.done $0x0  }
0xa5: {  	s25 =	simm.s32 $0x1B8E;
	s24 =	sld [smem:$0x3FFE];
	[sflag:s23] =	ssyncadd.s32 $0xFFFFFFFF  }
0xa6: {  	s26 =	simm.s32 $execute0_lowered;
	[smem:$0x3FD2] =	sst s25  }
0xa7: {  	s6 =	sshll.u32 s26, $0x1;
	_ =	strace $0x80000046;
	[dreg:$0x1] =	wrdreg $0xFFFFFFFF  }
0xa8: {  	s28 =	simm.s32 $_size_execute0_lowered;
	s4 =	sadd.s32 s4, s6;
	[dreg:$0x0] =	wrdreg $0x0  }
0xa9: {  	s6 =	sshll.u32 s28, $0x1;
	[dreg:$0x2] =	wrdreg s4  }
0xaa: {  	[dreg:$0x3] =	wrdreg s6  }
0xab: {  	[dreg:$0x4] =	wrdreg $0xC0  }
0xac: {  	_ =	task [dreg:s8], $0x5FFFF  }
0xad: {  	[dreg:$0x1] =	wrdreg $0xFFFFFFFF  }
0xae: {  	[dreg:$0x0] =	wrdreg $0x60  }
0xaf: {  	[dreg:$0x2] =	wrdreg s24  }
0xb0: {  	[dreg:$0x3] =	wrdreg s2  }
0xb1: {  	[dreg:$0x4] =	wrdreg s18  }
0xb2: {  	[dreg:$0x5] =	wrdreg $0x9  }
0xb3: {  	_ =	task.clear_ibuf [dreg:s8], $0x6FFFF;
	_ =	strace $0x90000046  }
0xb4: {  	s29 =	simm.s32 $0x9;
	_ =	strace $0x80000048  }
0xb5: {  	_ =	swait.ge [sflag:s29], $0x1  }
0xb6: {  	[sflag:s29] =	ssyncadd.s32 $0xFFFFFFFF  }
0xb7: {  	_ =	strace $0x90000048  }
0xb8: {  	_ =	sfence  }
0xb9: {  	s30 =	sld [smem:$0x0];
	_ =	sdelay $0x2  }
0xba: {  	s31 =	sshll.u32 s1, $0xD;
	s1 =	sshrl.u32 s1, $0x2  }
0xbb: {  	s3 =	sand.u32 $0x4000, s31;
	s1 =	sadd.s32 s1, s30  }
0xbc: {  	s0 =	sor.u32 s3, s0;
	s1 =	sshll.u32 s1, $0x11  }
0xbd: {  	s0 =	sor.u32 s1, s0  }
0xbe: {  	s0 =	sadd.s32 $0x8F2B, s0  }
0xbf: {  	[sflag:s0] =	ssyncadd.remote.s32 $0x1  }
0xc0: {  	_ =	sfence.sel $0xFFFF  }
0xc1: {  	[dreg:$0x0] =	wrdreg $0xFFFFFFFF;
	(pc) =	sbr.abs _section_cstart, $3  }
0xc2: {  	[dreg:$0x1] =	wrdreg $0xFFFFFFFF  }
0xc3: {  	_ =	task.clear_ibuf [dreg:s8], $0x2FFFF;
	_ =	strace $0x9FFFFFFF  }
0xc4: {  	(tm) =	ssettm $0x7FFFFFFF  }
0xc5: {  	_ =	shalt  }
tec
execute0_lowered:
.L_overlay_start_1:
0x0: {  	(tag) =	ssettag $0x1  }
0x1: {  	s4 =	rddreg [dreg:$0x0];
	s1 =	srdreg.scid  }
0x2: {  	s0 =	stileid.u32;
	s2 =	rddreg [dreg:$0x1]  }
0x3: {  	s12 =	rddreg [dreg:$0x2];
	s3 =	simm.s32 $0x0;
	s8 =	simm.s32 $0x5  }
0x4: {  	s9 =	simm.s32 $0x80;
	s10 =	simm.s32 $0x1C00;
	s11 =	simm.s32 $0x5C00  }
0x5: {  	s13 =	simm.s32 $0x100;
	s14 =	simm.s32 $0x9C00;
	s15 =	simm.s32 $0x2  }
0x6: {  	s17 =	simm.s32 $0x180;
	s5 =	sand.u32 $0x1, s1;
	s30 =	sshll.u32 s0, $0x1  }
0x7: {  	s18 =	simm.s32 $0xDC00;
	s19 =	simm.s32 $0x1;
	s6 =	sor.u32 s5, s30  }
0x8: {  	s20 =	simm.s32 $0x3;
	s21 =	simm.s32 $0x4;
	s7 =	smul.u32 $0x380, s6  }
.Ltmp0:
0x9: {  	s22 =	simm.s32 $0x0;
	s5 =	ssub.s32 $0x2, s5;
	(pc) =	sbr.rel .LBB2_1-.Ltmp0, $4  }
0xa: {  	[smem:$0x7FF] =	sst s3;
	s16 =	sadd.s32 $0x10000, s12;
	s31 =	sshrl.u32 s5, $0x1  }
0xb: {  	_ =	strace $0x80000047;
	s4 =	sadd.s32 s7, s4;
	s7 =	ssub.s32 s5, s31  }
0xc: {  	s5 =	sshll.u32 s6, $0xB;
	s4 =	sadd.s32 $0x400, s4;
	s6 =	smax.u32 s7, $0x1  }
0xd: {  	s7 =	sadd.s32 $0x30000, s12;
	s12 =	sadd.s32 s5, s12;
	s16 =	sadd.s32 s5, s16  }
.LBB2_4:
0xe: {  	s22 =	sadd.s32 $0x1, s22  }
0xf: {  	_ =	swait.ge [sflag:s20], $0x4000;
	p0 =	sne.s32 s22, s6  }
.Ltmp1:
0x10: {  	[sflag:s20] =	ssyncset.done $0x0;
	(pc) =	sbr.rel @!p0 .LBB2_5-.Ltmp1, $4  }
0x11: {  	[sflag:s20] =	ssyncadd.s32 $0xFFFFC000  }
0x12: {  	_ =	swait.ge [sflag:s21], $0x4000  }
0x13: {  	[sflag:s21] =	ssyncset.done $0x0  }
0x14: {  	[sflag:s21] =	ssyncadd.s32 $0xFFFFC000  }
.LBB2_1:
0x15: {  	[tilespmem:s3], [sflag:$0x5] =	stream.linear.gather [hbm4b:s4+s3], $0x1900, $0x38;
	[tilespmem:$0x11C00] =	vst v63  }
0x16: {  	_ =	swait.ge [sflag:s8], $0x1900  }
0x17: {  	[sflag:s8] =	ssyncset.done $0x0  }
0x18: {  	[sflag:s8] =	ssyncadd.s32 $0xFFFFE700  }
0x19: {  	[tilespmem:s10], [sflag:$0x1] =	stream.indirect.gather [hbm4b:s2+s9], $0x80, s3, s9, $0xb8;
	[tilespmem:$0x11C00] =	vst v63  }
0x1a: {  	_ = 	snop  }
0x1b: {  	[tilespmem:s11], [sflag:$0x2] =	stream.indirect.gather [hbm4b:s2+s9], $0x80, s9, s9, $0xb8;
	[tilespmem:$0x11C00] =	vst v63  }
0x1c: {  	_ =	swait.ge [sflag:s19], $0x4000  }
0x1d: {  	[sflag:s19] =	ssyncset.done $0x0  }
0x1e: {  	[sflag:s19] =	ssyncadd.s32 $0xFFFFC000  }
0x1f: {  	[hbm4b:s12+s3] =	stream.linear.scatter [tilespmem:s10], [sflag:$0x3], $0x4000, $0x38;
	[tilespmem:$0x11C00] =	vst v63  }
0x20: {  	_ = 	snop  }
0x21: {  	[tilespmem:s14], [sflag:$0x1] =	stream.indirect.gather [hbm4b:s2+s9], $0x80, s13, s9, $0xb8;
	[tilespmem:$0x11C00] =	vst v63  }
0x22: {  	_ =	swait.ge [sflag:s15], $0x4000  }
0x23: {  	[sflag:s15] =	ssyncset.done $0x0  }
0x24: {  	[sflag:s15] =	ssyncadd.s32 $0xFFFFC000  }
0x25: {  	[hbm4b:s16+s3] =	stream.linear.scatter [tilespmem:s11], [sflag:$0x4], $0x4000, $0x38;
	[tilespmem:$0x11C00] =	vst v63  }
0x26: {  	s23 =	simm.s32 $0x280;
	s24 =	smov.u32 s7;
	s25 =	simm.s32 $0x1  }
0x27: {  	[tilespmem:s18], [sflag:$0x2] =	stream.indirect.gather [hbm4b:s2+s9], $0x80, s17, s9, $0xb8;
	[tilespmem:$0x11C00] =	vst v63  }
.LBB2_2:
0x28: {  	_ =	swait.ge [sflag:s19], $0x4000  }
0x29: {  	[sflag:s19] =	ssyncset.done $0x0  }
0x2a: {  	s26 =	sand.u32 $0x1, s25;
	[sflag:s19] =	ssyncadd.s32 $0xFFFFC000  }
0x2b: {  	s30 =	sadd.s32 s5, s24;
	s28 =	sshll.u32 s26, $0x11;
	_ =	swait.ge [sflag:s20], $0x4000  }
0x2c: {  	p0 =	seq.s32 s25, $0x18;
	s29 =	sshrl.u32 s28, $0x2;
	[sflag:s20] =	ssyncset.done $0x0  }
0x2d: {  	s1 =	sadd.s32 $0xFFFF0000, s30;
	s31 =	sor.u32 $0x1C00, s29;
	[sflag:s20] =	ssyncadd.s32 $0xFFFFC000  }
0x2e: {  	[hbm4b:s1+s3] =	stream.linear.scatter [tilespmem:s31], [sflag:$0x3], $0x4000, $0x38;
	[tilespmem:$0x11C00] =	vst v63  }
0x2f: {  	s1 =	ssub.s32 @!p0 $0x20000, s28  }
0x30: {  	s1 =	sshrl.u32 @!p0 s1, $0x2  }
0x31: {  	s28 =	sadd.s32 @!p0 $0xFFFFFF80, s23;
	s31 =	simm.s32 @!p0 $0x80;
	s1 =	sadd.s32 @!p0 $0x1C00, s1  }
0x32: {  	[tilespmem:s1], [sflag:$0x1] =	stream.indirect.gather @!p0 [hbm4b:s2+s31], $0x80, s28, s31, $0xb8;
	[tilespmem:$0x11C00] =	vst v63  }
0x33: {  	_ =	swait.ge [sflag:s15], $0x4000  }
0x34: {  	[sflag:s15] =	ssyncset.done $0x0  }
.Ltmp2:
0x35: {  	[sflag:s15] =	ssyncadd.s32 $0xFFFFC000;
	(pc) =	sbr.rel @p0 .LBB2_4-.Ltmp2, $4  }
0x36: {  	_ =	swait.ge [sflag:s21], $0x4000  }
0x37: {  	[sflag:s21] =	ssyncset.done $0x0  }
0x38: {  	s31 =	sadd.s32 $0x5C00, s29;
	[sflag:s21] =	ssyncadd.s32 $0xFFFFC000  }
0x39: {  	[hbm4b:s30+s3] =	stream.linear.scatter [tilespmem:s31], [sflag:$0x4], $0x4000, $0x38;
	[tilespmem:$0x11C00] =	vst v63  }
.Ltmp3:
0x3a: {  	(pc) =	sbr.rel .LBB2_2-.Ltmp3, $4  }
0x3b: {  	s1 =	sshll.u32 s26, $0xF  }
0x3c: {  	s1 =	sxor.u32 $0xDC00, s1  }
0x3d: {  	[tilespmem:s1], [sflag:$0x2] =	stream.indirect.gather [hbm4b:s2+s9], $0x80, s23, s9, $0xb8;
	[tilespmem:$0x11C00] =	vst v63  }
0x3e: {  	s25 =	sadd.s32 $0x1, s25;
	s24 =	sadd.s32 $0x20000, s24;
	s23 =	sadd.s32 $0x100, s23  }
.LBB2_5:
0x3f: {  	_ =	sfence.sel $0x180000  }
0x40: {  	[bflag:$0x0] =	sbarrier.arrive $0xFFFF  }
0x41: {  	_ =	strace $0x90000047  }
0x42: {  	[bflag:$0x2] =	sbarrier.arrive $0xFFFF  }
0x43: {  	p0 =	sne.s32 s0, $0x0;
	s0 =	rddreg [dreg:$0x3]  }
0x44: {  	s0 =	sadd.s32 @!p0 $0x100000, s0  }
0x45: {  	[sflag:s0] =	ssyncadd.tile.s32 @!p0 $0x1;
	_ =	shalt  }
.Lfunc_end2:
_tile_overlayer_lowered:
.L_overlay_start_2:
0x46: {  	(tag) =	ssettag $0x2  }
0x47: {  	s0 =	rddreg [dreg:$0x0];
	s2 =	stileid.u32  }
0x48: {  	s1 =	rddreg [dreg:$0x1];
	p0 =	sne.s32 s2, $0x0  }
0x49: {  	s3 =	rddreg [dreg:$0x2];
	[bflag:$0x3] =	sbarrier.arrive $0xFFFF;
	s2 =	simm.s32 @!p0 $0x1C05  }
0x4a: {  	[timem:s3], [sflag:s2] =	dma.local @!p0 [hbm:s0], s1  }
0x4b: {  	s0 =	simm.s32 @!p0 $0x5  }
0x4c: {  	_ =	swait.ge @!p0 [sflag:s0], s1  }
0x4d: {  	s1 =	ssub.s32 @!p0 $0x0, s1;
	[sflag:s0] =	ssyncset.done @!p0 $0x0  }
0x4e: {  	[sflag:s0] =	ssyncadd.s32 @!p0 s1  }
0x4f: {  	[bflag:$0x3] =	sbarrier.arrive $0xFFFF  }
0x50: {  	_ =	shalt  }

</sc_bundles>
